<compile_context>
chip_gen: v7x
topology: tpu7x:2x2x1
jax: 0.10.2.dev20260603
libtpu: 0.0.44.dev20260713+nightly
codegen_flags: <defaults>
</compile_context>

<pallas_src>
import functools

import jax
import jax.numpy as jnp
from jax import lax
from jax.experimental import pallas as pl
from jax.experimental.pallas import tpu as pltpu
from jax.experimental.pallas import tpu_sc as plsc

_D = 64
_B = 16384
_NC = 2
_NS = 16
_NW = _NC * _NS
_BPW = _B // _NW
_CHUNK = 128
_NCHUNK = _BPW // _CHUNK
_LANES = _D // 16
_SCALE = 1.0 / float(_B * _D)


def _sc_body(features_hbm, labels_hbm, centers_hbm, out_hbm,
             idx_v, rows_v, feat_v, part_v, shared_v, gath_v, sem):
    cid = lax.axis_index("c")
    sid = lax.axis_index("s")
    wid = sid * _NC + cid
    base = wid * _BPW

    pltpu.sync_copy(labels_hbm.at[wid], idx_v)

    feat_copy = pltpu.async_copy(
        features_hbm.at[pl.ds(base, _BPW)], feat_v, sem)
    gathers = []
    for k in range(_NCHUNK):
        gathers.append(pltpu.async_copy(
            centers_hbm.at[idx_v.at[k]],
            rows_v.at[pl.ds(k * _CHUNK, _CHUNK)], sem))
    feat_copy.wait()
    for g in gathers:
        g.wait()

    def row_body(r, acc):
        for c in range(_LANES):
            f = feat_v[r, pl.ds(c * 16, 16)]
            t = rows_v[r, pl.ds(c * 16, 16)]
            d = f - t
            acc = acc + d * d
        return acc

    acc = lax.fori_loop(0, _BPW, row_body, jnp.zeros((16,), jnp.float32))

    part_v[...] = acc
    pltpu.sync_copy(part_v, shared_v.at[pl.ds(sid * 16, 16)])
    plsc.subcore_barrier()

    @pl.when(sid == 0)
    def _():
        pltpu.sync_copy(shared_v, gath_v)
        tot = gath_v[pl.ds(0, 16)]
        for s in range(1, _NS):
            tot = tot + gath_v[pl.ds(s * 16, 16)]
        part_v[...] = tot * _SCALE
        pltpu.sync_copy(part_v, out_hbm.at[cid])


@functools.partial(
    pl.kernel,
    out_type=jax.ShapeDtypeStruct((_NC, 16), jnp.float32),
    mesh=plsc.VectorSubcoreMesh(core_axis_name="c", subcore_axis_name="s"),
    compiler_params=pltpu.CompilerParams(use_tc_tiling_on_sc=False),
    scratch_types=[
        pltpu.VMEM((_NCHUNK, _CHUNK), jnp.int32),
        pltpu.VMEM((_BPW, _D), jnp.float32),
        pltpu.VMEM((_BPW, _D), jnp.float32),
        pltpu.VMEM((16,), jnp.float32),
        pltpu.VMEM_SHARED((_NS * 16,), jnp.float32),
        pltpu.VMEM((_NS * 16,), jnp.float32),
        pltpu.SemaphoreType.DMA,
    ],
)
def _center_loss_sc(features_hbm, labels_hbm, centers_hbm, out_hbm,
                    idx_v, rows_v, feat_v, part_v, shared_v, gath_v, sem):
    _sc_body(features_hbm, labels_hbm, centers_hbm, out_hbm,
             idx_v, rows_v, feat_v, part_v, shared_v, gath_v, sem)


@jax.jit
def kernel(features, labels, centers):
    labels_r = labels.reshape(_NW, _NCHUNK, _CHUNK)
    partials = _center_loss_sc(features, labels_r, centers)
    return jnp.sum(partials)

# --- scband reference (transcript-rebuilt; emitter-appended) ---
"""Pipeline reference for scband-center-loss-90245852823755 (READ-ONLY COPY).

The authoritative reference and input builder live on the scoring server;
editing this copy changes nothing except your own understanding.
"""

import jax, jax.numpy as jnp
import numpy as np

NUM_CLASSES = 100000
FEATURE_DIM = 64
BATCH = 16384
ALPHA = 0.5


def setup_inputs(seed: int = 0) -> dict:
    key = jax.random.key(seed)
    k1, k2, k3 = jax.random.split(key, 3)
    features = jax.random.normal(k1, (BATCH, FEATURE_DIM), dtype=jnp.float32)
    labels = jax.random.randint(k2, (BATCH,), 0, NUM_CLASSES, dtype=jnp.int32)
    # centers buffer: torch init is randn then uniform_(-1, 1) overwrite -> uniform(-1, 1)
    centers = jax.random.uniform(k3, (NUM_CLASSES, FEATURE_DIM), minval=-1.0, maxval=1.0, dtype=jnp.float32)
    return {"features": features, "labels": labels, "centers": centers}


def reference(features, labels, centers):
    # centers_batch = self.centers[labels]  (gather)
    centers_batch = jnp.take(centers, labels, axis=0)
    # centers_batch.detach(): stop gradient through gathered centers
    centers_batch = jax.lax.stop_gradient(centers_batch)
    # F.mse_loss with default 'mean' reduction
    center_loss = jnp.mean((features - centers_batch) ** 2)
    # NOTE: the torch module also performs an in-place, no-grad EMA update of the
    # centers buffer (centers[label] += alpha * (feature - center), sequentially).
    # That is a side effect on a buffer and does not affect the returned loss
    # within a single forward call, so it is not part of the functional output.
    return center_loss

if __name__ == "__main__":
    import jax
    _d = setup_inputs()
    print(jax.jit(kernel)(*tuple(_d.values())))

</pallas_src>

<mosaic_0001>
#map = affine_map<(d0, d1) -> (0, 0)>
#map1 = affine_map<(d0, d1) -> (0, 0, 0)>
module attributes {stable_mosaic.version = 14 : i64} {
  func.func @_center_loss_sc(%arg0: i32, %arg1: i32, %arg2: memref<16384x64xf32, #tpu.memory_space<hbm>>, %arg3: memref<32x4x128xi32, #tpu.memory_space<hbm>>, %arg4: memref<100000x64xf32, #tpu.memory_space<hbm>>, %arg5: memref<2x16xf32, #tpu.memory_space<hbm>>, %arg6: memref<4x128xi32, #tpu.memory_space<vmem>>, %arg7: memref<512x64xf32, #tpu.memory_space<vmem>>, %arg8: memref<512x64xf32, #tpu.memory_space<vmem>>, %arg9: memref<16xf32, #tpu.memory_space<vmem>>, %arg10: memref<256xf32, #tpu.memory_space<vmem_shared>>, %arg11: memref<256xf32, #tpu.memory_space<vmem>>, %arg12: memref<!tpu.dma_semaphore, #tpu.memory_space<semaphore_mem>>) attributes {dimension_semantics = [#tpu.dimension_semantics<core_parallel>, #tpu.dimension_semantics<subcore_parallel>], iteration_bounds = array<i64: 2, 16>, scalar_prefetch = 0 : i64, scratch_operands = 7 : i64, tpu.core_type = #tpu.core_type<sc_vector_subcore>, window_params = [{transform_indices = #map}, {transform_indices = #map1}, {transform_indices = #map}, {transform_indices = #map}]} {
    %mul3A = arith.constant 2 : i32
    %mul3A_0 = arith.muli %arg1, %mul3A : i32
    %add3A = arith.addi %mul3A_0, %arg0 : i32
    %mul3A_1 = arith.constant 512 : i32
    %mul3A_2 = arith.muli %add3A, %mul3A_1 : i32
    "tpu.region"() ({
      %run_scoped3A = tpu.sem_alloc : memref<!tpu.dma_semaphore, #tpu.memory_space<semaphore_mem>>
      %dma_start3A_102 = arith.constant 0 : i32
      %dma_start3A_103 = arith.constant 0 : i32
      %dma_start3A_104 = tpu.memref_slice %arg3[%add3A, %dma_start3A_102, %dma_start3A_103] : memref<32x4x128xi32, #tpu.memory_space<hbm>> -> memref<1x4x128xi32, #tpu.memory_space<hbm>>
      %dma_start3A_105 = tpu.memref_squeeze %dma_start3A_104 : memref<1x4x128xi32, #tpu.memory_space<hbm>> -> memref<4x128xi32, #tpu.memory_space<hbm>>
      %dma_start3A_106 = arith.constant 0 : i32
      %dma_start3A_107 = arith.constant 0 : i32
      %dma_start3A_108 = tpu.memref_slice %arg3[%add3A, %dma_start3A_106, %dma_start3A_107] : memref<32x4x128xi32, #tpu.memory_space<hbm>> -> memref<1x4x128xi32, #tpu.memory_space<hbm>>
      %dma_start3A_109 = tpu.memref_squeeze %dma_start3A_108 : memref<1x4x128xi32, #tpu.memory_space<hbm>> -> memref<4x128xi32, #tpu.memory_space<hbm>>
      tpu.enqueue_dma source(%dma_start3A_109 : memref<4x128xi32, #tpu.memory_space<hbm>>) target(%arg6 : memref<4x128xi32, #tpu.memory_space<vmem>>) target_semaphore(%run_scoped3A : memref<!tpu.dma_semaphore, #tpu.memory_space<semaphore_mem>>)
      %dma_wait3A_110 = arith.constant 0 : i32
      %dma_wait3A_111 = arith.constant 0 : i32
      %dma_wait3A_112 = tpu.memref_slice %arg3[%add3A, %dma_wait3A_110, %dma_wait3A_111] : memref<32x4x128xi32, #tpu.memory_space<hbm>> -> memref<1x4x128xi32, #tpu.memory_space<hbm>>
      %dma_wait3A_113 = tpu.memref_squeeze %dma_wait3A_112 : memref<1x4x128xi32, #tpu.memory_space<hbm>> -> memref<4x128xi32, #tpu.memory_space<hbm>>
      %dma_wait3A_114 = arith.constant 0 : i32
      %dma_wait3A_115 = arith.constant 0 : i32
      %dma_wait3A_116 = tpu.memref_slice %arg3[%add3A, %dma_wait3A_114, %dma_wait3A_115] : memref<32x4x128xi32, #tpu.memory_space<hbm>> -> memref<1x4x128xi32, #tpu.memory_space<hbm>>
      %dma_wait3A_117 = tpu.memref_squeeze %dma_wait3A_116 : memref<1x4x128xi32, #tpu.memory_space<hbm>> -> memref<4x128xi32, #tpu.memory_space<hbm>>
      tpu.wait_dma2 semaphore(%run_scoped3A : memref<!tpu.dma_semaphore, #tpu.memory_space<semaphore_mem>>) src(%dma_wait3A_117 : memref<4x128xi32, #tpu.memory_space<hbm>>) dst(%arg6 : memref<4x128xi32, #tpu.memory_space<vmem>>)
      tpu.yield
    }) : () -> ()
    %dma_start3A = arith.constant 0 : i32
    %dma_start3A_3 = tpu.memref_slice %arg2[%mul3A_2, %dma_start3A] : memref<16384x64xf32, #tpu.memory_space<hbm>> -> memref<512x64xf32, #tpu.memory_space<hbm>>
    %dma_start3A_4 = arith.constant 0 : i32
    %dma_start3A_5 = tpu.memref_slice %arg2[%mul3A_2, %dma_start3A_4] : memref<16384x64xf32, #tpu.memory_space<hbm>> -> memref<512x64xf32, #tpu.memory_space<hbm>>
    tpu.enqueue_dma source(%dma_start3A_5 : memref<512x64xf32, #tpu.memory_space<hbm>>) target(%arg8 : memref<512x64xf32, #tpu.memory_space<vmem>>) target_semaphore(%arg12 : memref<!tpu.dma_semaphore, #tpu.memory_space<semaphore_mem>>)
    %dma_start3A_6 = arith.constant 0 : i32
    %dma_start3A_7 = arith.constant 0 : i32
    %dma_start3A_8 = arith.constant 0 : i32
    %dma_start3A_9 = tpu.memref_slice %arg7[%dma_start3A_7, %dma_start3A_8] : memref<512x64xf32, #tpu.memory_space<vmem>> -> memref<128x64xf32, #tpu.memory_space<vmem>>
    %dma_start3A_10 = arith.constant 0 : i32
    %dma_start3A_11 = tpu.memref_slice %arg6[%dma_start3A_6, %dma_start3A_10] : memref<4x128xi32, #tpu.memory_space<vmem>> -> memref<1x128xi32, #tpu.memory_space<vmem>>
    %dma_start3A_12 = tpu.memref_squeeze %dma_start3A_11 : memref<1x128xi32, #tpu.memory_space<vmem>> -> memref<128xi32, #tpu.memory_space<vmem>>
    %dma_start3A_13 = arith.constant 0 : i32
    %dma_start3A_14 = arith.constant 0 : i32
    %dma_start3A_15 = tpu.memref_slice %arg4[%dma_start3A_13, %dma_start3A_14] : memref<100000x64xf32, #tpu.memory_space<hbm>> -> memref<100000x64xf32, #tpu.memory_space<hbm>>
    tpu.enqueue_indirect_dma source(%dma_start3A_15 : memref<100000x64xf32, #tpu.memory_space<hbm>>) target(%dma_start3A_9 : memref<128x64xf32, #tpu.memory_space<vmem>>) offsets(%dma_start3A_12 : memref<128xi32, #tpu.memory_space<vmem>>) semaphore(%arg12 : memref<!tpu.dma_semaphore, #tpu.memory_space<semaphore_mem>>)
    %dma_start3A_16 = arith.constant 1 : i32
    %dma_start3A_17 = arith.constant 128 : i32
    %dma_start3A_18 = arith.constant 0 : i32
    %dma_start3A_19 = tpu.memref_slice %arg7[%dma_start3A_17, %dma_start3A_18] : memref<512x64xf32, #tpu.memory_space<vmem>> -> memref<128x64xf32, #tpu.memory_space<vmem>>
    %dma_start3A_20 = arith.constant 0 : i32
    %dma_start3A_21 = tpu.memref_slice %arg6[%dma_start3A_16, %dma_start3A_20] : memref<4x128xi32, #tpu.memory_space<vmem>> -> memref<1x128xi32, #tpu.memory_space<vmem>>
    %dma_start3A_22 = tpu.memref_squeeze %dma_start3A_21 : memref<1x128xi32, #tpu.memory_space<vmem>> -> memref<128xi32, #tpu.memory_space<vmem>>
    %dma_start3A_23 = arith.constant 0 : i32
    %dma_start3A_24 = arith.constant 0 : i32
    %dma_start3A_25 = tpu.memref_slice %arg4[%dma_start3A_23, %dma_start3A_24] : memref<100000x64xf32, #tpu.memory_space<hbm>> -> memref<100000x64xf32, #tpu.memory_space<hbm>>
    tpu.enqueue_indirect_dma source(%dma_start3A_25 : memref<100000x64xf32, #tpu.memory_space<hbm>>) target(%dma_start3A_19 : memref<128x64xf32, #tpu.memory_space<vmem>>) offsets(%dma_start3A_22 : memref<128xi32, #tpu.memory_space<vmem>>) semaphore(%arg12 : memref<!tpu.dma_semaphore, #tpu.memory_space<semaphore_mem>>)
    %dma_start3A_26 = arith.constant 2 : i32
    %dma_start3A_27 = arith.constant 256 : i32
    %dma_start3A_28 = arith.constant 0 : i32
    %dma_start3A_29 = tpu.memref_slice %arg7[%dma_start3A_27, %dma_start3A_28] : memref<512x64xf32, #tpu.memory_space<vmem>> -> memref<128x64xf32, #tpu.memory_space<vmem>>
    %dma_start3A_30 = arith.constant 0 : i32
    %dma_start3A_31 = tpu.memref_slice %arg6[%dma_start3A_26, %dma_start3A_30] : memref<4x128xi32, #tpu.memory_space<vmem>> -> memref<1x128xi32, #tpu.memory_space<vmem>>
    %dma_start3A_32 = tpu.memref_squeeze %dma_start3A_31 : memref<1x128xi32, #tpu.memory_space<vmem>> -> memref<128xi32, #tpu.memory_space<vmem>>
    %dma_start3A_33 = arith.constant 0 : i32
    %dma_start3A_34 = arith.constant 0 : i32
    %dma_start3A_35 = tpu.memref_slice %arg4[%dma_start3A_33, %dma_start3A_34] : memref<100000x64xf32, #tpu.memory_space<hbm>> -> memref<100000x64xf32, #tpu.memory_space<hbm>>
    tpu.enqueue_indirect_dma source(%dma_start3A_35 : memref<100000x64xf32, #tpu.memory_space<hbm>>) target(%dma_start3A_29 : memref<128x64xf32, #tpu.memory_space<vmem>>) offsets(%dma_start3A_32 : memref<128xi32, #tpu.memory_space<vmem>>) semaphore(%arg12 : memref<!tpu.dma_semaphore, #tpu.memory_space<semaphore_mem>>)
    %dma_start3A_36 = arith.constant 3 : i32
    %dma_start3A_37 = arith.constant 384 : i32
    %dma_start3A_38 = arith.constant 0 : i32
    %dma_start3A_39 = tpu.memref_slice %arg7[%dma_start3A_37, %dma_start3A_38] : memref<512x64xf32, #tpu.memory_space<vmem>> -> memref<128x64xf32, #tpu.memory_space<vmem>>
    %dma_start3A_40 = arith.constant 0 : i32
    %dma_start3A_41 = tpu.memref_slice %arg6[%dma_start3A_36, %dma_start3A_40] : memref<4x128xi32, #tpu.memory_space<vmem>> -> memref<1x128xi32, #tpu.memory_space<vmem>>
    %dma_start3A_42 = tpu.memref_squeeze %dma_start3A_41 : memref<1x128xi32, #tpu.memory_space<vmem>> -> memref<128xi32, #tpu.memory_space<vmem>>
    %dma_start3A_43 = arith.constant 0 : i32
    %dma_start3A_44 = arith.constant 0 : i32
    %dma_start3A_45 = tpu.memref_slice %arg4[%dma_start3A_43, %dma_start3A_44] : memref<100000x64xf32, #tpu.memory_space<hbm>> -> memref<100000x64xf32, #tpu.memory_space<hbm>>
    tpu.enqueue_indirect_dma source(%dma_start3A_45 : memref<100000x64xf32, #tpu.memory_space<hbm>>) target(%dma_start3A_39 : memref<128x64xf32, #tpu.memory_space<vmem>>) offsets(%dma_start3A_42 : memref<128xi32, #tpu.memory_space<vmem>>) semaphore(%arg12 : memref<!tpu.dma_semaphore, #tpu.memory_space<semaphore_mem>>)
    %dma_wait3A = arith.constant 0 : i32
    %dma_wait3A_46 = tpu.memref_slice %arg2[%mul3A_2, %dma_wait3A] : memref<16384x64xf32, #tpu.memory_space<hbm>> -> memref<512x64xf32, #tpu.memory_space<hbm>>
    %dma_wait3A_47 = arith.constant 0 : i32
    %dma_wait3A_48 = tpu.memref_slice %arg2[%mul3A_2, %dma_wait3A_47] : memref<16384x64xf32, #tpu.memory_space<hbm>> -> memref<512x64xf32, #tpu.memory_space<hbm>>
    tpu.wait_dma2 semaphore(%arg12 : memref<!tpu.dma_semaphore, #tpu.memory_space<semaphore_mem>>) src(%dma_wait3A_48 : memref<512x64xf32, #tpu.memory_space<hbm>>) dst(%arg8 : memref<512x64xf32, #tpu.memory_space<vmem>>)
    %dma_wait3A_49 = arith.constant 0 : i32
    %dma_wait3A_50 = arith.constant 0 : i32
    %dma_wait3A_51 = arith.constant 0 : i32
    %dma_wait3A_52 = tpu.memref_slice %arg7[%dma_wait3A_50, %dma_wait3A_51] : memref<512x64xf32, #tpu.memory_space<vmem>> -> memref<128x64xf32, #tpu.memory_space<vmem>>
    %dma_wait3A_53 = arith.constant 0 : i32
    %dma_wait3A_54 = tpu.memref_slice %arg6[%dma_wait3A_49, %dma_wait3A_53] : memref<4x128xi32, #tpu.memory_space<vmem>> -> memref<1x128xi32, #tpu.memory_space<vmem>>
    %dma_wait3A_55 = tpu.memref_squeeze %dma_wait3A_54 : memref<1x128xi32, #tpu.memory_space<vmem>> -> memref<128xi32, #tpu.memory_space<vmem>>
    %dma_wait3A_56 = arith.constant 0 : i32
    %dma_wait3A_57 = arith.constant 0 : i32
    %dma_wait3A_58 = tpu.memref_slice %arg4[%dma_wait3A_56, %dma_wait3A_57] : memref<100000x64xf32, #tpu.memory_space<hbm>> -> memref<100000x64xf32, #tpu.memory_space<hbm>>
    tpu.wait_indirect_dma semaphore(%arg12 : memref<!tpu.dma_semaphore, #tpu.memory_space<semaphore_mem>>) src(%dma_wait3A_58 : memref<100000x64xf32, #tpu.memory_space<hbm>>) dst(%dma_wait3A_52 : memref<128x64xf32, #tpu.memory_space<vmem>>)
    %dma_wait3A_59 = arith.constant 1 : i32
    %dma_wait3A_60 = arith.constant 128 : i32
    %dma_wait3A_61 = arith.constant 0 : i32
    %dma_wait3A_62 = tpu.memref_slice %arg7[%dma_wait3A_60, %dma_wait3A_61] : memref<512x64xf32, #tpu.memory_space<vmem>> -> memref<128x64xf32, #tpu.memory_space<vmem>>
    %dma_wait3A_63 = arith.constant 0 : i32
    %dma_wait3A_64 = tpu.memref_slice %arg6[%dma_wait3A_59, %dma_wait3A_63] : memref<4x128xi32, #tpu.memory_space<vmem>> -> memref<1x128xi32, #tpu.memory_space<vmem>>
    %dma_wait3A_65 = tpu.memref_squeeze %dma_wait3A_64 : memref<1x128xi32, #tpu.memory_space<vmem>> -> memref<128xi32, #tpu.memory_space<vmem>>
    %dma_wait3A_66 = arith.constant 0 : i32
    %dma_wait3A_67 = arith.constant 0 : i32
    %dma_wait3A_68 = tpu.memref_slice %arg4[%dma_wait3A_66, %dma_wait3A_67] : memref<100000x64xf32, #tpu.memory_space<hbm>> -> memref<100000x64xf32, #tpu.memory_space<hbm>>
    tpu.wait_indirect_dma semaphore(%arg12 : memref<!tpu.dma_semaphore, #tpu.memory_space<semaphore_mem>>) src(%dma_wait3A_68 : memref<100000x64xf32, #tpu.memory_space<hbm>>) dst(%dma_wait3A_62 : memref<128x64xf32, #tpu.memory_space<vmem>>)
    %dma_wait3A_69 = arith.constant 2 : i32
    %dma_wait3A_70 = arith.constant 256 : i32
    %dma_wait3A_71 = arith.constant 0 : i32
    %dma_wait3A_72 = tpu.memref_slice %arg7[%dma_wait3A_70, %dma_wait3A_71] : memref<512x64xf32, #tpu.memory_space<vmem>> -> memref<128x64xf32, #tpu.memory_space<vmem>>
    %dma_wait3A_73 = arith.constant 0 : i32
    %dma_wait3A_74 = tpu.memref_slice %arg6[%dma_wait3A_69, %dma_wait3A_73] : memref<4x128xi32, #tpu.memory_space<vmem>> -> memref<1x128xi32, #tpu.memory_space<vmem>>
    %dma_wait3A_75 = tpu.memref_squeeze %dma_wait3A_74 : memref<1x128xi32, #tpu.memory_space<vmem>> -> memref<128xi32, #tpu.memory_space<vmem>>
    %dma_wait3A_76 = arith.constant 0 : i32
    %dma_wait3A_77 = arith.constant 0 : i32
    %dma_wait3A_78 = tpu.memref_slice %arg4[%dma_wait3A_76, %dma_wait3A_77] : memref<100000x64xf32, #tpu.memory_space<hbm>> -> memref<100000x64xf32, #tpu.memory_space<hbm>>
    tpu.wait_indirect_dma semaphore(%arg12 : memref<!tpu.dma_semaphore, #tpu.memory_space<semaphore_mem>>) src(%dma_wait3A_78 : memref<100000x64xf32, #tpu.memory_space<hbm>>) dst(%dma_wait3A_72 : memref<128x64xf32, #tpu.memory_space<vmem>>)
    %dma_wait3A_79 = arith.constant 3 : i32
    %dma_wait3A_80 = arith.constant 384 : i32
    %dma_wait3A_81 = arith.constant 0 : i32
    %dma_wait3A_82 = tpu.memref_slice %arg7[%dma_wait3A_80, %dma_wait3A_81] : memref<512x64xf32, #tpu.memory_space<vmem>> -> memref<128x64xf32, #tpu.memory_space<vmem>>
    %dma_wait3A_83 = arith.constant 0 : i32
    %dma_wait3A_84 = tpu.memref_slice %arg6[%dma_wait3A_79, %dma_wait3A_83] : memref<4x128xi32, #tpu.memory_space<vmem>> -> memref<1x128xi32, #tpu.memory_space<vmem>>
    %dma_wait3A_85 = tpu.memref_squeeze %dma_wait3A_84 : memref<1x128xi32, #tpu.memory_space<vmem>> -> memref<128xi32, #tpu.memory_space<vmem>>
    %dma_wait3A_86 = arith.constant 0 : i32
    %dma_wait3A_87 = arith.constant 0 : i32
    %dma_wait3A_88 = tpu.memref_slice %arg4[%dma_wait3A_86, %dma_wait3A_87] : memref<100000x64xf32, #tpu.memory_space<hbm>> -> memref<100000x64xf32, #tpu.memory_space<hbm>>
    tpu.wait_indirect_dma semaphore(%arg12 : memref<!tpu.dma_semaphore, #tpu.memory_space<semaphore_mem>>) src(%dma_wait3A_88 : memref<100000x64xf32, #tpu.memory_space<hbm>>) dst(%dma_wait3A_82 : memref<128x64xf32, #tpu.memory_space<vmem>>)
    %broadcast_in_dim3A = arith.constant 0.000000e+00 : f32
    %broadcast_in_dim3A_89 = vector.broadcast %broadcast_in_dim3A : f32 to vector<16xf32>
    %scan3A = arith.constant 0 : i32
    %scan3A_90 = arith.constant 512 : i32
    %scan3A_91 = arith.addi %scan3A, %scan3A_90 : i32
    %scan3A_92 = arith.constant 1 : i32
    %scan3A_93 = scf.for %scan3A_102 = %scan3A to %scan3A_91 step %scan3A_92 iter_args(%scan3A_103 = %broadcast_in_dim3A_89) -> (vector<16xf32>)  : i32 {
      %get3A = arith.index_cast %scan3A_102 : i32 to index
      %get3A_104 = arith.constant 0 : index
      %get3A_105 = tpu.vector_load %arg8[%get3A, %get3A_104] {strides = array<i32>} : memref<512x64xf32, #tpu.memory_space<vmem>>, vector<1x16xf32>,
      %get3A_106 = vector.shape_cast %get3A_105 : vector<1x16xf32> to vector<16xf32>
      %get3A_107 = arith.index_cast %scan3A_102 : i32 to index
      %get3A_108 = arith.constant 0 : index
      %get3A_109 = tpu.vector_load %arg7[%get3A_107, %get3A_108] {strides = array<i32>} : memref<512x64xf32, #tpu.memory_space<vmem>>, vector<1x16xf32>,
      %get3A_110 = vector.shape_cast %get3A_109 : vector<1x16xf32> to vector<16xf32>
      %sub3A = arith.subf %get3A_106, %get3A_110 : vector<16xf32>
      %mul3A_111 = arith.mulf %sub3A, %sub3A : vector<16xf32>
      %add3A_112 = arith.addf %scan3A_103, %mul3A_111 : vector<16xf32>
      %get3A_113 = arith.index_cast %scan3A_102 : i32 to index
      %get3A_114 = arith.constant 16 : index
      %get3A_115 = tpu.vector_load %arg8[%get3A_113, %get3A_114] {strides = array<i32>} : memref<512x64xf32, #tpu.memory_space<vmem>>, vector<1x16xf32>,
      %get3A_116 = vector.shape_cast %get3A_115 : vector<1x16xf32> to vector<16xf32>
      %get3A_117 = arith.index_cast %scan3A_102 : i32 to index
      %get3A_118 = arith.constant 16 : index
      %get3A_119 = tpu.vector_load %arg7[%get3A_117, %get3A_118] {strides = array<i32>} : memref<512x64xf32, #tpu.memory_space<vmem>>, vector<1x16xf32>,
      %get3A_120 = vector.shape_cast %get3A_119 : vector<1x16xf32> to vector<16xf32>
      %sub3A_121 = arith.subf %get3A_116, %get3A_120 : vector<16xf32>
      %mul3A_122 = arith.mulf %sub3A_121, %sub3A_121 : vector<16xf32>
      %add3A_123 = arith.addf %add3A_112, %mul3A_122 : vector<16xf32>
      %get3A_124 = arith.index_cast %scan3A_102 : i32 to index
      %get3A_125 = arith.constant 32 : index
      %get3A_126 = tpu.vector_load %arg8[%get3A_124, %get3A_125] {strides = array<i32>} : memref<512x64xf32, #tpu.memory_space<vmem>>, vector<1x16xf32>,
      %get3A_127 = vector.shape_cast %get3A_126 : vector<1x16xf32> to vector<16xf32>
      %get3A_128 = arith.index_cast %scan3A_102 : i32 to index
      %get3A_129 = arith.constant 32 : index
      %get3A_130 = tpu.vector_load %arg7[%get3A_128, %get3A_129] {strides = array<i32>} : memref<512x64xf32, #tpu.memory_space<vmem>>, vector<1x16xf32>,
      %get3A_131 = vector.shape_cast %get3A_130 : vector<1x16xf32> to vector<16xf32>
      %sub3A_132 = arith.subf %get3A_127, %get3A_131 : vector<16xf32>
      %mul3A_133 = arith.mulf %sub3A_132, %sub3A_132 : vector<16xf32>
      %add3A_134 = arith.addf %add3A_123, %mul3A_133 : vector<16xf32>
      %get3A_135 = arith.index_cast %scan3A_102 : i32 to index
      %get3A_136 = arith.constant 48 : index
      %get3A_137 = tpu.vector_load %arg8[%get3A_135, %get3A_136] {strides = array<i32>} : memref<512x64xf32, #tpu.memory_space<vmem>>, vector<1x16xf32>,
      %get3A_138 = vector.shape_cast %get3A_137 : vector<1x16xf32> to vector<16xf32>
      %get3A_139 = arith.index_cast %scan3A_102 : i32 to index
      %get3A_140 = arith.constant 48 : index
      %get3A_141 = tpu.vector_load %arg7[%get3A_139, %get3A_140] {strides = array<i32>} : memref<512x64xf32, #tpu.memory_space<vmem>>, vector<1x16xf32>,
      %get3A_142 = vector.shape_cast %get3A_141 : vector<1x16xf32> to vector<16xf32>
      %sub3A_143 = arith.subf %get3A_138, %get3A_142 : vector<16xf32>
      %mul3A_144 = arith.mulf %sub3A_143, %sub3A_143 : vector<16xf32>
      %add3A_145 = arith.addf %add3A_134, %mul3A_144 : vector<16xf32>
      scf.yield %add3A_145 : vector<16xf32>
    }
    %scan3A_94 = arith.constant 512 : i32
    %swap3A = arith.constant 0 : index
    %swap3A_95 = tpu.vector_load %arg9[%swap3A] {strides = array<i32>} : memref<16xf32, #tpu.memory_space<vmem>>, vector<16xf32>,
    %swap3A_96 = vector.shape_cast %swap3A_95 : vector<16xf32> to vector<16xf32>
    %swap3A_97 = vector.shape_cast %scan3A_93 : vector<16xf32> to vector<16xf32>
    tpu.vector_store %arg9[%swap3A], %swap3A_97 {strides = array<i32>} : memref<16xf32, #tpu.memory_space<vmem>>, vector<16xf32>,
    %mul3A_98 = arith.constant 16 : i32
    %mul3A_99 = arith.muli %arg1, %mul3A_98 : i32
    "tpu.region"() ({
      %run_scoped3A = tpu.sem_alloc : memref<!tpu.dma_semaphore, #tpu.memory_space<semaphore_mem>>
      %dma_start3A_102 = tpu.memref_slice %arg10[%mul3A_99] : memref<256xf32, #tpu.memory_space<vmem_shared>> -> memref<16xf32, #tpu.memory_space<vmem_shared>>
      %dma_start3A_103 = tpu.memref_slice %arg10[%mul3A_99] : memref<256xf32, #tpu.memory_space<vmem_shared>> -> memref<16xf32, #tpu.memory_space<vmem_shared>>
      tpu.enqueue_dma source(%arg9 : memref<16xf32, #tpu.memory_space<vmem>>) target(%dma_start3A_103 : memref<16xf32, #tpu.memory_space<vmem_shared>>) target_semaphore(%run_scoped3A : memref<!tpu.dma_semaphore, #tpu.memory_space<semaphore_mem>>)
      %dma_wait3A_104 = tpu.memref_slice %arg10[%mul3A_99] : memref<256xf32, #tpu.memory_space<vmem_shared>> -> memref<16xf32, #tpu.memory_space<vmem_shared>>
      %dma_wait3A_105 = tpu.memref_slice %arg10[%mul3A_99] : memref<256xf32, #tpu.memory_space<vmem_shared>> -> memref<16xf32, #tpu.memory_space<vmem_shared>>
      tpu.wait_dma2 semaphore(%run_scoped3A : memref<!tpu.dma_semaphore, #tpu.memory_space<semaphore_mem>>) src(%arg9 : memref<16xf32, #tpu.memory_space<vmem>>) dst(%dma_wait3A_105 : memref<16xf32, #tpu.memory_space<vmem_shared>>)
      tpu.yield
    }) : () -> ()
    %barrier3A = arith.constant 0 : index
    tpu.barrier barrier_id(%barrier3A)
    %eq3A = arith.constant 0 : i32
    %eq3A_100 = arith.cmpi eq, %arg1, %eq3A : i32
    %convert_element_type3A = arith.extui %eq3A_100 : i1 to i32
    %cond3A = arith.constant 0 : i32
    %cond3A_101 = arith.cmpi ne, %convert_element_type3A, %cond3A : i32
    scf.if %cond3A_101 {
      "tpu.region"() ({
        %run_scoped3A = tpu.sem_alloc : memref<!tpu.dma_semaphore, #tpu.memory_space<semaphore_mem>>
        tpu.enqueue_dma source(%arg10 : memref<256xf32, #tpu.memory_space<vmem_shared>>) target(%arg11 : memref<256xf32, #tpu.memory_space<vmem>>) target_semaphore(%run_scoped3A : memref<!tpu.dma_semaphore, #tpu.memory_space<semaphore_mem>>)
        tpu.wait_dma2 semaphore(%run_scoped3A : memref<!tpu.dma_semaphore, #tpu.memory_space<semaphore_mem>>) src(%arg10 : memref<256xf32, #tpu.memory_space<vmem_shared>>) dst(%arg11 : memref<256xf32, #tpu.memory_space<vmem>>)
        tpu.yield
      }) : () -> ()
      %get3A = arith.constant 0 : index
      %get3A_102 = tpu.vector_load %arg11[%get3A] {strides = array<i32>} : memref<256xf32, #tpu.memory_space<vmem>>, vector<16xf32>,
      %get3A_103 = vector.shape_cast %get3A_102 : vector<16xf32> to vector<16xf32>
      %get3A_104 = arith.constant 16 : index
      %get3A_105 = tpu.vector_load %arg11[%get3A_104] {strides = array<i32>} : memref<256xf32, #tpu.memory_space<vmem>>, vector<16xf32>,
      %get3A_106 = vector.shape_cast %get3A_105 : vector<16xf32> to vector<16xf32>
      %add3A_107 = arith.addf %get3A_103, %get3A_106 : vector<16xf32>
      %get3A_108 = arith.constant 32 : index
      %get3A_109 = tpu.vector_load %arg11[%get3A_108] {strides = array<i32>} : memref<256xf32, #tpu.memory_space<vmem>>, vector<16xf32>,
      %get3A_110 = vector.shape_cast %get3A_109 : vector<16xf32> to vector<16xf32>
      %add3A_111 = arith.addf %add3A_107, %get3A_110 : vector<16xf32>
      %get3A_112 = arith.constant 48 : index
      %get3A_113 = tpu.vector_load %arg11[%get3A_112] {strides = array<i32>} : memref<256xf32, #tpu.memory_space<vmem>>, vector<16xf32>,
      %get3A_114 = vector.shape_cast %get3A_113 : vector<16xf32> to vector<16xf32>
      %add3A_115 = arith.addf %add3A_111, %get3A_114 : vector<16xf32>
      %get3A_116 = arith.constant 64 : index
      %get3A_117 = tpu.vector_load %arg11[%get3A_116] {strides = array<i32>} : memref<256xf32, #tpu.memory_space<vmem>>, vector<16xf32>,
      %get3A_118 = vector.shape_cast %get3A_117 : vector<16xf32> to vector<16xf32>
      %add3A_119 = arith.addf %add3A_115, %get3A_118 : vector<16xf32>
      %get3A_120 = arith.constant 80 : index
      %get3A_121 = tpu.vector_load %arg11[%get3A_120] {strides = array<i32>} : memref<256xf32, #tpu.memory_space<vmem>>, vector<16xf32>,
      %get3A_122 = vector.shape_cast %get3A_121 : vector<16xf32> to vector<16xf32>
      %add3A_123 = arith.addf %add3A_119, %get3A_122 : vector<16xf32>
      %get3A_124 = arith.constant 96 : index
      %get3A_125 = tpu.vector_load %arg11[%get3A_124] {strides = array<i32>} : memref<256xf32, #tpu.memory_space<vmem>>, vector<16xf32>,
      %get3A_126 = vector.shape_cast %get3A_125 : vector<16xf32> to vector<16xf32>
      %add3A_127 = arith.addf %add3A_123, %get3A_126 : vector<16xf32>
      %get3A_128 = arith.constant 112 : index
      %get3A_129 = tpu.vector_load %arg11[%get3A_128] {strides = array<i32>} : memref<256xf32, #tpu.memory_space<vmem>>, vector<16xf32>,
      %get3A_130 = vector.shape_cast %get3A_129 : vector<16xf32> to vector<16xf32>
      %add3A_131 = arith.addf %add3A_127, %get3A_130 : vector<16xf32>
      %get3A_132 = arith.constant 128 : index
      %get3A_133 = tpu.vector_load %arg11[%get3A_132] {strides = array<i32>} : memref<256xf32, #tpu.memory_space<vmem>>, vector<16xf32>,
      %get3A_134 = vector.shape_cast %get3A_133 : vector<16xf32> to vector<16xf32>
      %add3A_135 = arith.addf %add3A_131, %get3A_134 : vector<16xf32>
      %get3A_136 = arith.constant 144 : index
      %get3A_137 = tpu.vector_load %arg11[%get3A_136] {strides = array<i32>} : memref<256xf32, #tpu.memory_space<vmem>>, vector<16xf32>,
      %get3A_138 = vector.shape_cast %get3A_137 : vector<16xf32> to vector<16xf32>
      %add3A_139 = arith.addf %add3A_135, %get3A_138 : vector<16xf32>
      %get3A_140 = arith.constant 160 : index
      %get3A_141 = tpu.vector_load %arg11[%get3A_140] {strides = array<i32>} : memref<256xf32, #tpu.memory_space<vmem>>, vector<16xf32>,
      %get3A_142 = vector.shape_cast %get3A_141 : vector<16xf32> to vector<16xf32>
      %add3A_143 = arith.addf %add3A_139, %get3A_142 : vector<16xf32>
      %get3A_144 = arith.constant 176 : index
      %get3A_145 = tpu.vector_load %arg11[%get3A_144] {strides = array<i32>} : memref<256xf32, #tpu.memory_space<vmem>>, vector<16xf32>,
      %get3A_146 = vector.shape_cast %get3A_145 : vector<16xf32> to vector<16xf32>
      %add3A_147 = arith.addf %add3A_143, %get3A_146 : vector<16xf32>
      %get3A_148 = arith.constant 192 : index
      %get3A_149 = tpu.vector_load %arg11[%get3A_148] {strides = array<i32>} : memref<256xf32, #tpu.memory_space<vmem>>, vector<16xf32>,
      %get3A_150 = vector.shape_cast %get3A_149 : vector<16xf32> to vector<16xf32>
      %add3A_151 = arith.addf %add3A_147, %get3A_150 : vector<16xf32>
      %get3A_152 = arith.constant 208 : index
      %get3A_153 = tpu.vector_load %arg11[%get3A_152] {strides = array<i32>} : memref<256xf32, #tpu.memory_space<vmem>>, vector<16xf32>,
      %get3A_154 = vector.shape_cast %get3A_153 : vector<16xf32> to vector<16xf32>
      %add3A_155 = arith.addf %add3A_151, %get3A_154 : vector<16xf32>
      %get3A_156 = arith.constant 224 : index
      %get3A_157 = tpu.vector_load %arg11[%get3A_156] {strides = array<i32>} : memref<256xf32, #tpu.memory_space<vmem>>, vector<16xf32>,
      %get3A_158 = vector.shape_cast %get3A_157 : vector<16xf32> to vector<16xf32>
      %add3A_159 = arith.addf %add3A_155, %get3A_158 : vector<16xf32>
      %get3A_160 = arith.constant 240 : index
      %get3A_161 = tpu.vector_load %arg11[%get3A_160] {strides = array<i32>} : memref<256xf32, #tpu.memory_space<vmem>>, vector<16xf32>,
      %get3A_162 = vector.shape_cast %get3A_161 : vector<16xf32> to vector<16xf32>
      %add3A_163 = arith.addf %add3A_159, %get3A_162 : vector<16xf32>
      %mul3A_164 = arith.constant 9.53674316E-7 : f32
      %mul3A_165 = vector.broadcast %mul3A_164 : f32 to vector<16xf32>
      %mul3A_166 = arith.mulf %add3A_163, %mul3A_165 : vector<16xf32>
      %swap3A_167 = arith.constant 0 : index
      %swap3A_168 = tpu.vector_load %arg9[%swap3A_167] {strides = array<i32>} : memref<16xf32, #tpu.memory_space<vmem>>, vector<16xf32>,
      %swap3A_169 = vector.shape_cast %swap3A_168 : vector<16xf32> to vector<16xf32>
      %swap3A_170 = vector.shape_cast %mul3A_166 : vector<16xf32> to vector<16xf32>
      tpu.vector_store %arg9[%swap3A_167], %swap3A_170 {strides = array<i32>} : memref<16xf32, #tpu.memory_space<vmem>>, vector<16xf32>,
      "tpu.region"() ({
        %run_scoped3A = tpu.sem_alloc : memref<!tpu.dma_semaphore, #tpu.memory_space<semaphore_mem>>
        %dma_start3A_171 = arith.constant 0 : i32
        %dma_start3A_172 = tpu.memref_slice %arg5[%arg0, %dma_start3A_171] : memref<2x16xf32, #tpu.memory_space<hbm>> -> memref<1x16xf32, #tpu.memory_space<hbm>>
        %dma_start3A_173 = tpu.memref_squeeze %dma_start3A_172 : memref<1x16xf32, #tpu.memory_space<hbm>> -> memref<16xf32, #tpu.memory_space<hbm>>
        %dma_start3A_174 = arith.constant 0 : i32
        %dma_start3A_175 = tpu.memref_slice %arg5[%arg0, %dma_start3A_174] : memref<2x16xf32, #tpu.memory_space<hbm>> -> memref<1x16xf32, #tpu.memory_space<hbm>>
        %dma_start3A_176 = tpu.memref_squeeze %dma_start3A_175 : memref<1x16xf32, #tpu.memory_space<hbm>> -> memref<16xf32, #tpu.memory_space<hbm>>
        tpu.enqueue_dma source(%arg9 : memref<16xf32, #tpu.memory_space<vmem>>) target(%dma_start3A_176 : memref<16xf32, #tpu.memory_space<hbm>>) target_semaphore(%run_scoped3A : memref<!tpu.dma_semaphore, #tpu.memory_space<semaphore_mem>>)
        %dma_wait3A_177 = arith.constant 0 : i32
        %dma_wait3A_178 = tpu.memref_slice %arg5[%arg0, %dma_wait3A_177] : memref<2x16xf32, #tpu.memory_space<hbm>> -> memref<1x16xf32, #tpu.memory_space<hbm>>
        %dma_wait3A_179 = tpu.memref_squeeze %dma_wait3A_178 : memref<1x16xf32, #tpu.memory_space<hbm>> -> memref<16xf32, #tpu.memory_space<hbm>>
        %dma_wait3A_180 = arith.constant 0 : i32
        %dma_wait3A_181 = tpu.memref_slice %arg5[%arg0, %dma_wait3A_180] : memref<2x16xf32, #tpu.memory_space<hbm>> -> memref<1x16xf32, #tpu.memory_space<hbm>>
        %dma_wait3A_182 = tpu.memref_squeeze %dma_wait3A_181 : memref<1x16xf32, #tpu.memory_space<hbm>> -> memref<16xf32, #tpu.memory_space<hbm>>
        tpu.wait_dma2 semaphore(%run_scoped3A : memref<!tpu.dma_semaphore, #tpu.memory_space<semaphore_mem>>) src(%arg9 : memref<16xf32, #tpu.memory_space<vmem>>) dst(%dma_wait3A_182 : memref<16xf32, #tpu.memory_space<hbm>>)
        tpu.yield
      }) : () -> ()
    } else {
    }
    return
  }
}

</mosaic_0001>

<sc_bundles>
// kernel: kernel.3.cloned.1.call-start
scs
__scs_entry_jumppad:
0x0: {  	(pc) =	sbr.rel $0x88, $3  }
0x1: {  	(tag) =	ssettag $0x0;
	lr =	simm.s32 $0x1  }
0x2: {  	[smem:$0x3F9E] =	sst lr;
	_ =	strace $0xD0000000  }
0x3: {  	_ = 	snop  }
0x4: {  	_ = 	snop  }
0x5: {  	_ = 	snop  }
0x6: {  	_ = 	snop  }
0x7: {  	_ = 	snop  }
__scs_overlays_trampoline_lowered:
0x8: {  	[smem:$0x3FAD] =	sst s0  }
0x9: {  	[smem:$0x3FAE] =	sst s1  }
0xa: {  	[smem:$0x3FAF] =	sst s2  }
0xb: {  	[smem:$0x3FB0] =	sst s3  }
0xc: {  	[smem:$0x3FB1] =	sst s4  }
0xd: {  	[smem:$0x3FB2] =	sst s5  }
0xe: {  	[smem:$0x3FB3] =	sst s6  }
0xf: {  	[smem:$0x3FB4] =	sst s7  }
0x10: {  	[smem:$0x3FB5] =	sst s8  }
0x11: {  	[smem:$0x3FB6] =	sst s9;
	s0 =	simm.s32 @!p0 $0x0  }
0x12: {  	s1 =	sld [smem:$0x3F9C];
	s0 =	simm.s32 @p0 $0x1  }
0x13: {  	[smem:$0x3FB7] =	sst s0;
	s0 =	simm.s32 @!p1 $0x0  }
0x14: {  	s2 =	sld [smem:$0x3F9B];
	s0 =	simm.s32 @p1 $0x1  }
0x15: {  	[smem:$0x3FB8] =	sst s0;
	s0 =	simm.s32 @!p2 $0x0  }
0x16: {  	s3 =	sld [smem:$0x3FDB];
	s0 =	simm.s32 @p2 $0x1  }
0x17: {  	s4 =	simm.s32 $0x1BF5;
	[smem:$0x3FBA] =	sst s0  }
0x18: {  	s0 =	sld [smem:$0x3F9D];
	_ =	swait.ge [sflag:s4], $0x0  }
0x19: {  	s7 =	sld [smem:$0x3F9E]  }
0x1a: {  	s8 =	sadd.s32 $0xFFFFE003, lr  }
0x1b: {  	s9 =	sadd.s32 $0xFFFFFEF7, lr;
	s5 =	simm.s32 $0xFFFFFFFF;
	p2 =	slt.u32 s8, $0xFFFFF086  }
0x1c: {  	p1 =	slt.u32 s9, $0xF7A;
	s5 =	simm.s32 @!p2 $0x0  }
0x1d: {  	s5 =	simm.s32 @p1 $0x1;
	p0 =	seq.s32 s7, s2  }
0x1e: {  	s7 =	smul.u32 @!p0 $0xF7A, s2;
	p2 =	seq.s32 @!p0 s5, $0x0  }
0x1f: {  	s9 =	smul.u32 $0xF7A, s1;
	s8 =	simm.s32 @!p0 $0x1BF5;
	p2 =	por !p2, p0  }
0x20: {  	[sflag:s8] =	ssyncset.s32 @!p0 $0xFFFFF086;
	s6 =	sadd.s32 @!p0 s3, s7;
	s7 =	simm.s32 @!p0 $0x108  }
0x21: {  	s3 =	sadd.s32 s3, s9;
	s6 =	sadd.s32 @!p0 $0x88, s6;
	s7 =	simm.s32 @p2 $0x1082  }
0x22: {  	[simem:s7], [sflag:s8] =	dma.local @!p0 [hbm:s6], $0xF7A  }
0x23: {  	s9 =	sor.u32 $0xD0000000, s2;
	s6 =	simm.s32 $0x108;
	_ =	swait.ge @!p0 [sflag:s8], $0x0  }
0x24: {  	s3 =	sadd.s32 $0x88, s3;
	s6 =	simm.s32 @!p1 $0x1082;
	[sflag:s4] =	ssyncset.s32 $0xFFFFF086  }
0x25: {  	[simem:s6], [sflag:s4] =	dma.local [hbm:s3], $0xF7A  }
0x26: {  	[smem:$0x3F9E] =	sst s1;
	(tag) =	ssettag s2;
	_ =	strace s9  }
0x27: {  	s1 =	sld [smem:$0x3FAE]  }
0x28: {  	s2 =	sld [smem:$0x3FAF]  }
0x29: {  	s4 =	sld [smem:$0x3FB1]  }
0x2a: {  	p0 =	seq.s32 s5, $0x0;
	s5 =	sld [smem:$0x3FB2]  }
0x2b: {  	s6 =	sld [smem:$0x3FB3]  }
0x2c: {  	s7 =	sld [smem:$0x3FB4]  }
0x2d: {  	s3 =	simm.s32 $0x108;
	s8 =	sld [smem:$0x3FB5]  }
0x2e: {  	s3 =	simm.s32 @!p0 $0x1082;
	s9 =	sld [smem:$0x3FB6]  }
0x2f: {  	lr =	sadd.s32 s0, s3;
	s0 =	sld [smem:$0x3FAD]  }
0x30: {  	s3 =	sld [smem:$0x3FB0]  }
0x31: {  	[smem:$0x3FB9] =	sst s10  }
0x32: {  	s10 =	sld [smem:$0x3FB7];
	_ =	sdelay $0x3  }
0x33: {  	p0 =	seq.s32 s10, $0x1;
	s10 =	sld [smem:$0x3FB9];
	_ =	sdelay $0x3  }
0x34: {  	[smem:$0x3FB9] =	sst s10  }
0x35: {  	s10 =	sld [smem:$0x3FB8];
	_ =	sdelay $0x3  }
0x36: {  	p1 =	seq.s32 s10, $0x1;
	s10 =	sld [smem:$0x3FB9];
	_ =	sdelay $0x3  }
0x37: {  	[smem:$0x3FB9] =	sst s10  }
0x38: {  	s10 =	sld [smem:$0x3FBA]  }
0x39: {  	_ = 	snop;
	(pc) =	sbr.ind lr, $3  }
0x3a: {  	_ = 	snop  }
0x3b: {  	_ = 	snop  }
0x3c: {  	p2 =	seq.s32 s10, $0x1;
	s10 =	sld [smem:$0x3FB9]  }
0x3d: {  	_ =	shalt  }
0x3e: {  	_ =	shalt  }
0x3f: {  	_ =	shalt  }
0x40: {  	_ =	shalt  }
0x41: {  	_ =	shalt  }
0x42: {  	_ =	shalt  }
0x43: {  	_ =	shalt  }
0x44: {  	_ =	shalt  }
0x45: {  	_ =	shalt  }
0x46: {  	_ =	shalt  }
0x47: {  	_ =	shalt  }
0x48: {  	_ =	shalt  }
0x49: {  	_ =	shalt  }
0x4a: {  	_ =	shalt  }
0x4b: {  	_ =	shalt  }
0x4c: {  	_ =	shalt  }
0x4d: {  	_ =	shalt  }
0x4e: {  	_ =	shalt  }
0x4f: {  	_ =	shalt  }
0x50: {  	_ =	shalt  }
0x51: {  	_ =	shalt  }
0x52: {  	_ =	shalt  }
0x53: {  	_ =	shalt  }
0x54: {  	_ =	shalt  }
0x55: {  	_ =	shalt  }
0x56: {  	_ =	shalt  }
0x57: {  	_ =	shalt  }
0x58: {  	_ =	shalt  }
0x59: {  	_ =	shalt  }
0x5a: {  	_ =	shalt  }
0x5b: {  	_ =	shalt  }
0x5c: {  	_ =	shalt  }
0x5d: {  	_ =	shalt  }
0x5e: {  	_ =	shalt  }
0x5f: {  	_ =	shalt  }
0x60: {  	_ =	shalt  }
0x61: {  	_ =	shalt  }
0x62: {  	_ =	shalt  }
0x63: {  	_ =	shalt  }
0x64: {  	_ =	shalt  }
0x65: {  	_ =	shalt  }
0x66: {  	_ =	shalt  }
0x67: {  	_ =	shalt  }
0x68: {  	_ =	shalt  }
0x69: {  	_ =	shalt  }
0x6a: {  	_ =	shalt  }
0x6b: {  	_ =	shalt  }
0x6c: {  	_ =	shalt  }
0x6d: {  	_ =	shalt  }
0x6e: {  	_ =	shalt  }
0x6f: {  	_ =	shalt  }
0x70: {  	_ =	shalt  }
0x71: {  	_ =	shalt  }
0x72: {  	_ =	shalt  }
0x73: {  	_ =	shalt  }
0x74: {  	_ =	shalt  }
0x75: {  	_ =	shalt  }
0x76: {  	_ =	shalt  }
0x77: {  	_ =	shalt  }
0x78: {  	_ =	shalt  }
0x79: {  	_ =	shalt  }
0x7a: {  	_ =	shalt  }
0x7b: {  	_ =	shalt  }
0x7c: {  	_ =	shalt  }
0x7d: {  	_ =	shalt  }
0x7e: {  	_ =	shalt  }
0x7f: {  	_ =	shalt  }
0x80: {  	_ =	shalt  }
0x81: {  	_ =	shalt  }
0x82: {  	_ =	shalt  }
0x83: {  	_ =	shalt  }
0x84: {  	_ =	shalt  }
0x85: {  	_ =	shalt  }
0x86: {  	_ =	shalt  }
0x87: {  	_ =	shalt  }
.Lfunc_end0:
.L_simem_size_0:
called_computation_lowered:
.L_overlay_start_0:
0x88: {  	s2 =	sld [smem:$0x3FD9]  }
0x89: {  	s3 =	sld [smem:$0x3FFE];
	_ =	sdelay $0x1  }
0x8a: {  	s1 =	srdreg.scid  }
0x8b: {  	s0 =	sand.u32 $0x1, s1  }
0x8c: {  	s17 =	sshll.u32 s0, $0xA;
	s2 =	sadd.s32 s3, s2  }
0x8d: {  	s2 =	sadd.s32 s2, s17  }
0x8e: {  	[smem:$0x3FC5] =	sst s2  }
0x8f: {  	_ = 	snop  }
0x90: {  	s2 =	sld [smem:$0x3FC8]  }
0x91: {  	s18 =	sld [smem:$0x3FD0];
	(tm) =	ssettm $0x1  }
0x92: {  	s4 =	sld [smem:$0x3FFB];
	_ =	sdelay $0x3  }
0x93: {  	_ =	strace s4  }
0x94: {  	s4 =	sld [smem:$0x3FFC];
	_ =	sdelay $0x3  }
0x95: {  	_ =	strace s4  }
0x96: {  	s4 =	sld [smem:$0x3FFD];
	_ =	sdelay $0x3  }
0x97: {  	_ =	strace s4  }
0x98: {  	_ =	strace $0x8FFFFFFF  }
0x99: {  	s19 =	sld [smem:$0x3FDB];
	_ =	sdelay $0x1  }
0x9a: {  	s5 =	simm.s32 $_scs_section_size  }
0x9b: {  	s6 =	simm.s32 $_size__tile_overlayer_lowered;
	s7 =	simm.s32 $_tile_overlayer_lowered  }
0x9c: {  	s22 =	simm.s32 $0x1BFF;
	s21 =	sshll.u32 s7, $0x1;
	s4 =	sadd.s32 s5, s19  }
0x9d: {  	s8 =	simm.s32 $0x0;
	s20 =	sshll.u32 s6, $0x1;
	s6 =	sadd.s32 s21, s4  }
0x9e: {  	[timem:s8], [sflag:s22] =	dma.local [hbm:s6], s20  }
0x9f: {  	_ =	swait.ge [sflag:s22], s20  }
0xa0: {  	s5 =	ssub.s32 $0x0, s20;
	[sflag:s22] =	ssyncset.done $0x0  }
0xa1: {  	[sflag:s22] =	ssyncadd.s32 s5;
	_ =	sdelay $0x1  }
0xa2: {  	s23 =	simm.s32 $0x1B8B  }
0xa3: {  	_ =	swait.ge [sflag:s23], $0x1  }
0xa4: {  	[sflag:s23] =	ssyncset.done $0x0  }
0xa5: {  	s25 =	simm.s32 $0x1B8E;
	s24 =	sld [smem:$0x3FFE];
	[sflag:s23] =	ssyncadd.s32 $0xFFFFFFFF  }
0xa6: {  	s26 =	simm.s32 $execute0_lowered;
	[smem:$0x3FD2] =	sst s25  }
0xa7: {  	s6 =	sshll.u32 s26, $0x1;
	_ =	strace $0x80000046;
	[dreg:$0x1] =	wrdreg $0xFFFFFFFF  }
0xa8: {  	s28 =	simm.s32 $_size_execute0_lowered;
	s4 =	sadd.s32 s4, s6;
	[dreg:$0x0] =	wrdreg $0x0  }
0xa9: {  	s6 =	sshll.u32 s28, $0x1;
	[dreg:$0x2] =	wrdreg s4  }
0xaa: {  	[dreg:$0x3] =	wrdreg s6  }
0xab: {  	[dreg:$0x4] =	wrdreg $0xC0  }
0xac: {  	_ =	task [dreg:s8], $0x5FFFF  }
0xad: {  	[dreg:$0x1] =	wrdreg $0xFFFFFFFF  }
0xae: {  	[dreg:$0x0] =	wrdreg $0x60  }
0xaf: {  	[dreg:$0x2] =	wrdreg s24  }
0xb0: {  	[dreg:$0x3] =	wrdreg s2  }
0xb1: {  	[dreg:$0x4] =	wrdreg s18  }
0xb2: {  	[dreg:$0x5] =	wrdreg $0x102100  }
0xb3: {  	[dreg:$0x6] =	wrdreg $0x9  }
0xb4: {  	_ =	task.clear_ibuf [dreg:s8], $0x7FFFF;
	_ =	strace $0x90000046  }
0xb5: {  	s29 =	simm.s32 $0x9;
	_ =	strace $0x80000048  }
0xb6: {  	_ =	swait.ge [sflag:s29], $0x1  }
0xb7: {  	[sflag:s29] =	ssyncadd.s32 $0xFFFFFFFF  }
0xb8: {  	_ =	strace $0x90000048  }
0xb9: {  	_ =	sfence  }
0xba: {  	s30 =	sld [smem:$0x0];
	_ =	sdelay $0x2  }
0xbb: {  	s31 =	sshll.u32 s1, $0xD;
	s1 =	sshrl.u32 s1, $0x2  }
0xbc: {  	s3 =	sand.u32 $0x4000, s31;
	s1 =	sadd.s32 s1, s30  }
0xbd: {  	s0 =	sor.u32 s3, s0;
	s1 =	sshll.u32 s1, $0x11  }
0xbe: {  	s0 =	sor.u32 s1, s0  }
0xbf: {  	s0 =	sadd.s32 $0x8F2B, s0  }
0xc0: {  	[sflag:s0] =	ssyncadd.remote.s32 $0x1  }
0xc1: {  	_ =	sfence.sel $0xFFFF  }
0xc2: {  	[dreg:$0x0] =	wrdreg $0xFFFFFFFF;
	(pc) =	sbr.abs _section_cstart, $3  }
0xc3: {  	[dreg:$0x1] =	wrdreg $0xFFFFFFFF  }
0xc4: {  	_ =	task.clear_ibuf [dreg:s8], $0x2FFFF;
	_ =	strace $0x9FFFFFFF  }
0xc5: {  	(tm) =	ssettm $0x7FFFFFFF  }
tec
execute0_lowered:
.L_overlay_start_1:
0x0: {  	(tag) =	ssettag $0x1  }
0x1: {  	s3 =	rddreg [dreg:$0x0]  }
0x2: {  	s4 =	rddreg [dreg:$0x1];
	s0 =	srdreg.scid  }
0x3: {  	s7 =	rddreg [dreg:$0x2];
	s19 =	stileid.u32  }
0x4: {  	s1 =	rddreg [dreg:$0x3];
	s2 =	simm.s32 $0x0;
	s11 =	simm.s32 $0x80  }
0x5: {  	s12 =	simm.s32 $0x200;
	s13 =	simm.s32 $0x2200;
	s14 =	simm.s32 $0x100  }
0x6: {  	s15 =	simm.s32 $0x4200;
	s16 =	simm.s32 $0x180;
	s17 =	simm.s32 $0x6200  }
0x7: {  	s18 =	simm.s32 $0x1;
	s8 =	sand.u32 $0x1, s0;
	s0 =	rddreg [dreg:$0x4]  }
0x8: {  	s20 =	simm.s32 $0x0;
	s5 =	sshll.u32 s19, $0xA;
	[smem:$0x7FF] =	sst s2  }
0x9: {  	s31 =	sshll.u32 s19, $0x4;
	p0 =	sne.s32 s19, $0x0;
	s19 =	simm.s32 $0x10200  }
0xa: {  	s6 =	sshll.u32 s8, $0x9;
	_ =	strace $0x80000047;
	s9 =	ssub.s32 $0x2, s8  }
0xb: {  	s8 =	sshll.u32 s8, $0x1;
	s5 =	sor.u32 s6, s5;
	s10 =	sshrl.u32 s9, $0x1  }
0xc: {  	s7 =	sadd.s32 s7, s8;
	s6 =	sshll.u32 s5, $0x3;
	s5 =	sshrl.u32 s5, $0x3  }
0xd: {  	s9 =	ssub.s32 s9, s10;
	s10 =	simm.s32 $0x8200;
	s6 =	sadd.s32 s6, s3  }
0xe: {  	s3 =	sadd.s32 $0x186C00, s3;
	s4 =	sadd.s32 s4, s5;
	s8 =	smax.u32 s9, $0x1  }
0xf: {  	s9 =	simm.s32 $0x2;
	s5 =	sadd.s32 $0x200, s6;
	s6 =	sadd.s32 s31, s1  }
.LBB2_1:
0x10: {  	[tilespmem:s2], [sflag:$0x2] =	stream.linear.gather [hbm4b:s4+s2], $0x200, $0x38;
	[tilespmem:$0x10320] =	vst v63  }
0x11: {  	_ =	swait.ge [sflag:s9], $0x200  }
0x12: {  	[sflag:s9] =	ssyncset.done $0x0  }
0x13: {  	[sflag:s9] =	ssyncadd.s32 $0xFFFFFE00  }
0x14: {  	[tilespmem:s10], [sflag:$0x1] =	stream.linear.gather [hbm4b:s5+s2], $0x8000, $0x38;
	[tilespmem:$0x10320] =	vst v63  }
0x15: {  	_ = 	snop  }
0x16: {  	[tilespmem:s12], [sflag:$0x1] =	stream.indirect.gather [hbm4b:s3+s11], $0x40, s2, s11, $0xb8;
	[tilespmem:$0x10320] =	vst v63  }
0x17: {  	_ = 	snop  }
0x18: {  	[tilespmem:s13], [sflag:$0x1] =	stream.indirect.gather [hbm4b:s3+s11], $0x40, s11, s11, $0xb8;
	[tilespmem:$0x10320] =	vst v63  }
0x19: {  	_ = 	snop  }
0x1a: {  	[tilespmem:s15], [sflag:$0x1] =	stream.indirect.gather [hbm4b:s3+s11], $0x40, s14, s11, $0xb8;
	[tilespmem:$0x10320] =	vst v63  }
0x1b: {  	_ = 	snop  }
0x1c: {  	[tilespmem:s17], [sflag:$0x1] =	stream.indirect.gather [hbm4b:s3+s11], $0x40, s16, s11, $0xb8;
	[tilespmem:$0x10320] =	vst v63  }
0x1d: {  	_ =	swait.ge [sflag:s18], $0x8000  }
0x1e: {  	[sflag:s18] =	ssyncset.done $0x0  }
0x1f: {  	[sflag:s18] =	ssyncadd.s32 $0xFFFF8000  }
0x20: {  	_ =	swait.ge [sflag:s18], $0x2000  }
0x21: {  	[sflag:s18] =	ssyncset.done $0x0  }
0x22: {  	[sflag:s18] =	ssyncadd.s32 $0xFFFFE000  }
0x23: {  	_ =	swait.ge [sflag:s18], $0x2000  }
0x24: {  	[sflag:s18] =	ssyncset.done $0x0  }
0x25: {  	[sflag:s18] =	ssyncadd.s32 $0xFFFFE000  }
0x26: {  	_ =	swait.ge [sflag:s18], $0x2000  }
0x27: {  	[sflag:s18] =	ssyncset.done $0x0  }
0x28: {  	[sflag:s18] =	ssyncadd.s32 $0xFFFFE000  }
0x29: {  	_ =	swait.ge [sflag:s18], $0x2000  }
0x2a: {  	[sflag:s18] =	ssyncset.done $0x0  }
0x2b: {  	s22 =	simm.s32 $0x0;
	[sflag:s18] =	ssyncadd.s32 $0xFFFFE000  }
0x2c: {  	v0 =	vld [tilespmem:s22+$0x8200]  }
0x2d: {  	v2 =	vld [tilespmem:s22+$0x200]  }
0x2e: {  	v7 =	vld [tilespmem:s22+$0x8210]  }
0x2f: {  	v8 =	vld [tilespmem:s22+$0x210]  }
0x30: {  	v1 =	vld [tilespmem:s22+$0x8220]  }
0x31: {  	v4 =	vld [tilespmem:s22+$0x220]  }
0x32: {  	v3 =	vld [tilespmem:s22+$0x230];
	v6 =	vsub.f32 v0, v2  }
0x33: {  	s21 =	simm.s32 $0x40;
	v0 =	vld [tilespmem:s22+$0x8230]  }
0x34: {  	v5 =	vimm.f32 $0.0e+00;
	v2 =	vld [tilespmem:s21+$0x8200];
	s22 =	simm.s32 $0x200;
	v7 =	vsub.f32 v7, v8;
	v6 =	vmul.f32 v6, v6  }
.LBB2_2:
0x35: {  	p1 =	sne.s32 s22, $0x1FF00;
	v8 =	vld [tilespmem:s21+$0x200]  }
0x36: {  	v9 =	vld [tilespmem:s21+$0x8210];
	v5 =	vadd.f32 v6, v5;
	v6 =	vmul.f32 v7, v7;
	v4 =	vsub.f32 v1, v4  }
0x37: {  	v7 =	vld [tilespmem:s21+$0x210]  }
.Ltmp0:
0x38: {  	v1 =	vld [tilespmem:s21+$0x8220];
	v5 =	vadd.f32 v6, v5;
	v6 =	vmul.f32 v4, v4;
	v3 =	vsub.f32 v0, v3;
	(pc) =	sbr.rel @p1 .LBB2_2-.Ltmp0, $4  }
0x39: {  	v4 =	vld [tilespmem:s21+$0x220]  }
0x3a: {  	v8 =	vsub.f32 v2, v8;
	v0 =	vld [tilespmem:s21+$0x8230];
	v5 =	vadd.f32 v6, v5;
	v10 =	vmul.f32 v3, v3  }
0x3b: {  	v3 =	vld [tilespmem:s21+$0x230];
	s21 =	sshra.s32 s22, $0x2  }
0x3c: {  	s22 =	sadd.s32 $0x100, s22;
	v2 =	vld [tilespmem:s21+$0x8200];
	v6 =	vmul.f32 v8, v8;
	v7 =	vsub.f32 v9, v7;
	v5 =	vadd.f32 v10, v5  }
0x3d: {  	v8 =	vld [tilespmem:s21+$0x200]  }
0x3e: {  	v9 =	vld [tilespmem:s21+$0x8210];
	v5 =	vadd.f32 v6, v5;
	v53 =	vmul.f32 v7, v7;
	v1 =	vsub.f32 v1, v4  }
0x3f: {  	v54 =	vld [tilespmem:s21+$0x210]  }
0x40: {  	v55 =	vld [tilespmem:s21+$0x8220];
	v5 =	vadd.f32 v53, v5;
	v1 =	vmul.f32 v1, v1;
	v0 =	vsub.f32 v0, v3  }
0x41: {  	v56 =	vld [tilespmem:s21+$0x220]  }
0x42: {  	v57 =	vld [tilespmem:s21+$0x8230];
	v2 =	vsub.f32 v2, v8;
	v1 =	vadd.f32 v1, v5;
	v0 =	vmul.f32 v0, v0  }
0x43: {  	v58 =	vld [tilespmem:s21+$0x230]  }
0x44: {  	v4 =	vsub.f32 v9, v54;
	v2 =	vmul.f32 v2, v2;
	v0 =	vadd.f32 v0, v1;
	_ =	sdelay $0x1  }
0x45: {  	v60 =	vsub.f32 v55, v56;
	v59 =	vmul.f32 v4, v4;
	v0 =	vadd.f32 v2, v0;
	_ =	sdelay $0x1  }
0x46: {  	v62 =	vsub.f32 v57, v58;
	v61 =	vmul.f32 v60, v60;
	v0 =	vadd.f32 v59, v0;
	_ =	sdelay $0x1  }
0x47: {  	v63 =	vmul.f32 v62, v62;
	v0 =	vadd.f32 v61, v0;
	_ =	sdelay $0x1  }
0x48: {  	v0 =	vadd.f32 v63, v0;
	_ =	sdelay $0x1  }
0x49: {  	[tilespmem:$0x10200] =	vst v0  }
0x4a: {  	[spmem:s6] =	stream.linear.scatter [tilespmem:s19], [sflag:$0x2], $0x10, $0x38;
	[tilespmem:$0x10320] =	vst v63  }
0x4b: {  	_ =	swait.ge [sflag:s9], $0x10  }
0x4c: {  	[sflag:s9] =	ssyncset.done $0x0  }
0x4d: {  	[sflag:s9] =	ssyncadd.s32 $0xFFFFFFF0  }
0x4e: {  	s21 =	simm.s32 @!p0 $0x10220;
	[bflag:$0x0] =	sbarrier.arrive $0xFFFF  }
0x4f: {  	[tilespmem:s21], [sflag:$0x2] =	stream.linear.gather @!p0 [spmem:s1], $0x100, $0x38;
	[tilespmem:$0x10320] =	vst v63  }
0x50: {  	s21 =	simm.s32 @!p0 $0x2  }
0x51: {  	_ =	swait.ge @!p0 [sflag:s21], $0x100  }
0x52: {  	[sflag:s21] =	ssyncset.done @!p0 $0x0  }
0x53: {  	[sflag:s21] =	ssyncadd.s32 @!p0 $0xFFFFFF00  }
0x54: {  	v0 =	vld @!p0 [tilespmem:$0x10220]  }
0x55: {  	v1 =	vld @!p0 [tilespmem:$0x10230];
	_ =	sdelay $0x1  }
0x56: {  	v2 =	vld @!p0 [tilespmem:$0x10240];
	_ =	sdelay $0x1  }
0x57: {  	v3 =	vld @!p0 [tilespmem:$0x10250]  }
0x58: {  	v0 =	vadd.f32 @!p0 v1, v0  }
0x59: {  	v1 =	vld @!p0 [tilespmem:$0x10260]  }
0x5a: {  	v0 =	vadd.f32 @!p0 v2, v0  }
0x5b: {  	v2 =	vld @!p0 [tilespmem:$0x10270]  }
0x5c: {  	v0 =	vadd.f32 @!p0 v3, v0  }
0x5d: {  	v3 =	vld @!p0 [tilespmem:$0x10280]  }
0x5e: {  	v0 =	vadd.f32 @!p0 v1, v0  }
0x5f: {  	v1 =	vld @!p0 [tilespmem:$0x10290]  }
0x60: {  	v0 =	vadd.f32 @!p0 v2, v0  }
0x61: {  	v2 =	vld @!p0 [tilespmem:$0x102A0]  }
0x62: {  	v0 =	vadd.f32 @!p0 v3, v0  }
0x63: {  	v3 =	vld @!p0 [tilespmem:$0x102B0]  }
0x64: {  	v0 =	vadd.f32 @!p0 v1, v0  }
0x65: {  	v1 =	vld @!p0 [tilespmem:$0x102C0]  }
0x66: {  	v0 =	vadd.f32 @!p0 v2, v0  }
0x67: {  	v2 =	vld @!p0 [tilespmem:$0x102D0]  }
0x68: {  	v0 =	vadd.f32 @!p0 v3, v0  }
0x69: {  	v3 =	vld @!p0 [tilespmem:$0x102E0]  }
0x6a: {  	v0 =	vadd.f32 @!p0 v1, v0  }
0x6b: {  	v1 =	vld @!p0 [tilespmem:$0x102F0]  }
0x6c: {  	v0 =	vadd.f32 @!p0 v2, v0  }
0x6d: {  	v2 =	vld @!p0 [tilespmem:$0x10300]  }
0x6e: {  	v0 =	vadd.f32 @!p0 v3, v0  }
0x6f: {  	v3 =	vld @!p0 [tilespmem:$0x10310]  }
0x70: {  	v0 =	vadd.f32 @!p0 v1, v0;
	_ =	sdelay $0x1  }
0x71: {  	v0 =	vadd.f32 @!p0 v2, v0;
	_ =	sdelay $0x1  }
0x72: {  	v0 =	vadd.f32 @!p0 v3, v0;
	_ =	sdelay $0x1  }
0x73: {  	s20 =	sadd.s32 $0x1, s20;
	v0 =	vmul.f32 @!p0 $9.536743160e-07, v0  }
0x74: {  	p1 =	sne.s32 s20, s8  }
.Ltmp1:
0x75: {  	s22 =	simm.s32 @!p0 $0x0;
	s23 =	simm.s32 @!p0 $0x10200;
	[tilespmem:$0x10200] =	vst @!p0 v0;
	(pc) =	sbr.rel @p1 .LBB2_1-.Ltmp1, $4  }
0x76: {  	[hbm4b:s7+s22] =	stream.linear.scatter @!p0 [tilespmem:s23], [sflag:$0x2], $0x10, $0x38;
	[tilespmem:$0x10320] =	vst v63  }
0x77: {  	_ =	swait.ge @!p0 [sflag:s21], $0x10  }
0x78: {  	[sflag:s21] =	ssyncset.done @!p0 $0x0  }
0x79: {  	[sflag:s21] =	ssyncadd.s32 @!p0 $0xFFFFFFF0  }
0x7a: {  	_ =	sfence.sel $0x180000  }
0x7b: {  	[bflag:$0x0] =	sbarrier.arrive $0xFFFF  }
0x7c: {  	_ =	strace $0x90000047  }
0x7d: {  	s0 =	sadd.s32 @!p0 $0x100000, s0;
	[bflag:$0x2] =	sbarrier.arrive $0xFFFF  }
0x7e: {  	[sflag:s0] =	ssyncadd.tile.s32 @!p0 $0x1;
	_ =	shalt  }
.Lfunc_end2:
_tile_overlayer_lowered:
.L_overlay_start_2:
0x7f: {  	(tag) =	ssettag $0x2  }
0x80: {  	s0 =	rddreg [dreg:$0x0];
	s2 =	stileid.u32  }
0x81: {  	s1 =	rddreg [dreg:$0x1];
	p0 =	sne.s32 s2, $0x0  }
0x82: {  	s3 =	rddreg [dreg:$0x2];
	[bflag:$0x3] =	sbarrier.arrive $0xFFFF;
	s2 =	simm.s32 @!p0 $0x1C02  }
0x83: {  	[timem:s3], [sflag:s2] =	dma.local @!p0 [hbm:s0], s1  }
0x84: {  	s0 =	simm.s32 @!p0 $0x2  }
0x85: {  	_ =	swait.ge @!p0 [sflag:s0], s1  }
0x86: {  	s1 =	ssub.s32 @!p0 $0x0, s1;
	[sflag:s0] =	ssyncset.done @!p0 $0x0  }
0x87: {  	[sflag:s0] =	ssyncadd.s32 @!p0 s1  }
0x88: {  	[bflag:$0x3] =	sbarrier.arrive $0xFFFF  }
0x89: {  	_ =	shalt  }

</sc_bundles>
